<compile_context>
chip_gen: v7x
topology: tpu7x:2x2x1
jax: 0.10.2.dev20260603
libtpu: 0.0.44.dev20260713+nightly
codegen_flags: <defaults>
</compile_context>

<pallas_src>
import functools

import jax
import jax.numpy as jnp
from jax import lax
from jax.experimental import pallas as pl
from jax.experimental.pallas import tpu as pltpu
from jax.experimental.pallas import tpu_sc as plsc

E = 8
D = 2048
N = 32768
BLOCK_N = 1024
L = 16


def _affine_body(x_ref, g_ref, b_ref, out_ref):
    out_ref[...] = x_ref[...] * g_ref[0:1, :] + b_ref[0:1, :]


_SC_MESH = plsc.VectorSubcoreMesh(core_axis_name="c", subcore_axis_name="s")


@functools.partial(
    pl.kernel,
    mesh=_SC_MESH,
    out_type=jax.ShapeDtypeStruct((L,), jnp.float32),
    scratch_types=[
        pltpu.VMEM((L,), jnp.float32),
        pltpu.VMEM((L,), jnp.float32),
        pltpu.VMEM((L,), jnp.float32),
    ],
)
def _gate_sc(alpha_hbm, lat0_hbm, lat_hbm, in_v, lat0_v, out_v):
    wid = lax.axis_index("s") * 2 + lax.axis_index("c")

    @pl.when(wid == 0)
    def _():
        in_v[...] = jnp.full((L,), -jnp.inf, jnp.float32)
        pltpu.sync_copy(alpha_hbm, in_v.at[pl.ds(0, E)])
        pltpu.sync_copy(lat0_hbm, lat0_v)
        a = in_v[...]
        e = jnp.exp(a)
        i = lax.broadcasted_iota(jnp.int32, (L,), 0).astype(jnp.float32)
        w = 0.5 + i * (1.5 / (E - 1))
        we = w * e
        num = we[0]
        den = e[0]
        for j in range(1, E):
            num = num + we[j]
            den = den + e[j]
        numv = jnp.full((L,), num, jnp.float32)
        denv = jnp.full((L,), den, jnp.float32)
        out_v[...] = lat0_v[...] + numv / denv
        pltpu.sync_copy(out_v, lat_hbm)


@jax.jit
def kernel(x, latency_to_accumulate, AP_path_alpha, gammas, betas):
    lat0_vec = jnp.full((L,), latency_to_accumulate, jnp.float32)
    lat_vec = _gate_sc(AP_path_alpha, lat0_vec)

    grid = (N // BLOCK_N,)
    out = pl.pallas_call(
        _affine_body,
        grid=grid,
        in_specs=[
            pl.BlockSpec((BLOCK_N, D), lambda i: (i, 0)),
            pl.BlockSpec((E, D), lambda i: (0, 0)),
            pl.BlockSpec((E, D), lambda i: (0, 0)),
        ],
        out_specs=pl.BlockSpec((BLOCK_N, D), lambda i: (i, 0)),
        out_shape=jax.ShapeDtypeStruct((N, D), jnp.float32),
    )(x, gammas, betas)
    return out, lat_vec[0]

# --- scband reference (transcript-rebuilt; emitter-appended) ---
"""Pipeline reference for scband-stochastic-super-net-80023830659213 (READ-ONLY COPY).

The authoritative reference and input builder live on the scoring server;
editing this copy changes nothing except your own understanding.
"""

import jax, jax.numpy as jnp
import numpy as np

E = 8
D = 2048
N = 32768
LATENCY = jnp.asarray(np.linspace(0.5, 2.0, E), dtype=jnp.float32)


def setup_inputs(seed: int = 0) -> dict:
    key = jax.random.key(seed)
    k1, k2, k3, k4 = jax.random.split(key, 4)
    x = jax.random.normal(k1, (N, D), dtype=jnp.float32)
    latency_to_accumulate = jnp.zeros((), dtype=jnp.float32)
    AP_path_alpha = 0.01 * jax.random.normal(k2, (E,), dtype=jnp.float32)
    gammas = 1.0 + 0.01 * jax.random.normal(k3, (E, D), dtype=jnp.float32)
    betas = 0.01 * jax.random.normal(k4, (E, D), dtype=jnp.float32)
    return {"x": x, "latency_to_accumulate": latency_to_accumulate,
            "AP_path_alpha": AP_path_alpha, "gammas": gammas, "betas": betas}


def reference(x, latency_to_accumulate, AP_path_alpha, gammas, betas):
    # MixedOperation.forward in default (non-'two_v2') mode:
    #   output = active_op(x)           (active_index = [0])
    #   latency_to_accumulate += sum_i latency[i] * softmax(alpha)[i]
    # Each candidate op is a lightweight channel-wise affine (memory-bound).
    active = 0
    probs = jax.nn.softmax(AP_path_alpha, axis=0)
    out = x * gammas[active] + betas[active]
    lat = latency_to_accumulate + jnp.sum(LATENCY * probs)
    return (out, lat)

if __name__ == "__main__":
    import jax
    _d = setup_inputs()
    print(jax.jit(kernel)(*tuple(_d.values())))

</pallas_src>

<mosaic_0001>
#map = affine_map<(d0, d1) -> (0)>
module attributes {stable_mosaic.version = 14 : i64} {
  func.func @_gate_sc(%arg0: i32, %arg1: i32, %arg2: memref<8xf32, #tpu.memory_space<hbm>>, %arg3: memref<16xf32, #tpu.memory_space<hbm>>, %arg4: memref<16xf32, #tpu.memory_space<hbm>>, %arg5: memref<16xf32, #tpu.memory_space<vmem>>, %arg6: memref<16xf32, #tpu.memory_space<vmem>>, %arg7: memref<16xf32, #tpu.memory_space<vmem>>) attributes {dimension_semantics = [#tpu.dimension_semantics<core_parallel>, #tpu.dimension_semantics<subcore_parallel>], iteration_bounds = array<i64: 2, 16>, scalar_prefetch = 0 : i64, scratch_operands = 3 : i64, tpu.core_type = #tpu.core_type<sc_vector_subcore>, window_params = [{transform_indices = #map}, {transform_indices = #map}, {transform_indices = #map}]} {
    %mul3A = arith.constant 2 : i32
    %mul3A_0 = arith.muli %arg1, %mul3A : i32
    %add3A = arith.addi %mul3A_0, %arg0 : i32
    %eq3A = arith.constant 0 : i32
    %eq3A_1 = arith.cmpi eq, %add3A, %eq3A : i32
    %convert_element_type3A = arith.extui %eq3A_1 : i1 to i32
    %cond3A = arith.constant 0 : i32
    %cond3A_2 = arith.cmpi ne, %convert_element_type3A, %cond3A : i32
    scf.if %cond3A_2 {
      %broadcast_in_dim3A = arith.constant 0xFF800000 : f32
      %broadcast_in_dim3A_3 = vector.broadcast %broadcast_in_dim3A : f32 to vector<16xf32>
      %swap3A = arith.constant 0 : index
      %swap3A_4 = tpu.vector_load %arg5[%swap3A] {strides = array<i32>} : memref<16xf32, #tpu.memory_space<vmem>>, vector<16xf32>,
      %swap3A_5 = vector.shape_cast %swap3A_4 : vector<16xf32> to vector<16xf32>
      %swap3A_6 = vector.shape_cast %broadcast_in_dim3A_3 : vector<16xf32> to vector<16xf32>
      tpu.vector_store %arg5[%swap3A], %swap3A_6 {strides = array<i32>} : memref<16xf32, #tpu.memory_space<vmem>>, vector<16xf32>,
      "tpu.region"() ({
        %run_scoped3A = tpu.sem_alloc : memref<!tpu.dma_semaphore, #tpu.memory_space<semaphore_mem>>
        %dma_start3A = arith.constant 0 : i32
        %dma_start3A_71 = tpu.memref_slice %arg5[%dma_start3A] : memref<16xf32, #tpu.memory_space<vmem>> -> memref<8xf32, #tpu.memory_space<vmem>>
        %dma_start3A_72 = arith.constant 0 : i32
        %dma_start3A_73 = tpu.memref_slice %arg5[%dma_start3A_72] : memref<16xf32, #tpu.memory_space<vmem>> -> memref<8xf32, #tpu.memory_space<vmem>>
        tpu.enqueue_dma source(%arg2 : memref<8xf32, #tpu.memory_space<hbm>>) target(%dma_start3A_73 : memref<8xf32, #tpu.memory_space<vmem>>) target_semaphore(%run_scoped3A : memref<!tpu.dma_semaphore, #tpu.memory_space<semaphore_mem>>)
        %dma_wait3A = arith.constant 0 : i32
        %dma_wait3A_74 = tpu.memref_slice %arg5[%dma_wait3A] : memref<16xf32, #tpu.memory_space<vmem>> -> memref<8xf32, #tpu.memory_space<vmem>>
        %dma_wait3A_75 = arith.constant 0 : i32
        %dma_wait3A_76 = tpu.memref_slice %arg5[%dma_wait3A_75] : memref<16xf32, #tpu.memory_space<vmem>> -> memref<8xf32, #tpu.memory_space<vmem>>
        tpu.wait_dma2 semaphore(%run_scoped3A : memref<!tpu.dma_semaphore, #tpu.memory_space<semaphore_mem>>) src(%arg2 : memref<8xf32, #tpu.memory_space<hbm>>) dst(%dma_wait3A_76 : memref<8xf32, #tpu.memory_space<vmem>>)
        tpu.yield
      }) : () -> ()
      "tpu.region"() ({
        %run_scoped3A = tpu.sem_alloc : memref<!tpu.dma_semaphore, #tpu.memory_space<semaphore_mem>>
        tpu.enqueue_dma source(%arg3 : memref<16xf32, #tpu.memory_space<hbm>>) target(%arg6 : memref<16xf32, #tpu.memory_space<vmem>>) target_semaphore(%run_scoped3A : memref<!tpu.dma_semaphore, #tpu.memory_space<semaphore_mem>>)
        tpu.wait_dma2 semaphore(%run_scoped3A : memref<!tpu.dma_semaphore, #tpu.memory_space<semaphore_mem>>) src(%arg3 : memref<16xf32, #tpu.memory_space<hbm>>) dst(%arg6 : memref<16xf32, #tpu.memory_space<vmem>>)
        tpu.yield
      }) : () -> ()
      %get3A = arith.constant 0 : index
      %get3A_7 = tpu.vector_load %arg5[%get3A] {strides = array<i32>} : memref<16xf32, #tpu.memory_space<vmem>>, vector<16xf32>,
      %get3A_8 = vector.shape_cast %get3A_7 : vector<16xf32> to vector<16xf32>
      %exp3A = math.exp %get3A_8 : vector<16xf32>
      %iota3A = tpu.iota {dimensions = array<i32: 0>} : vector<16xi32>
      %convert_element_type3A_9 = arith.sitofp %iota3A : vector<16xi32> to vector<16xf32>
      %mul3A_10 = arith.constant 0.214285716 : f32
      %mul3A_11 = vector.broadcast %mul3A_10 : f32 to vector<16xf32>
      %mul3A_12 = arith.mulf %convert_element_type3A_9, %mul3A_11 : vector<16xf32>
      %add3A_13 = arith.constant 5.000000e-01 : f32
      %add3A_14 = vector.broadcast %add3A_13 : f32 to vector<16xf32>
      %add3A_15 = arith.addf %add3A_14, %mul3A_12 : vector<16xf32>
      %mul3A_16 = arith.mulf %add3A_15, %exp3A : vector<16xf32>
      %slice3A = vector.extract_strided_slice %mul3A_16 {offsets = [0], sizes = [1], strides = [1]} : vector<16xf32> to vector<1xf32>
      %squeeze3A = vector.extract %slice3A[0] : f32 from vector<1xf32>
      %slice3A_17 = vector.extract_strided_slice %exp3A {offsets = [0], sizes = [1], strides = [1]} : vector<16xf32> to vector<1xf32>
      %squeeze3A_18 = vector.extract %slice3A_17[0] : f32 from vector<1xf32>
      %slice3A_19 = vector.extract_strided_slice %mul3A_16 {offsets = [1], sizes = [1], strides = [1]} : vector<16xf32> to vector<1xf32>
      %squeeze3A_20 = vector.extract %slice3A_19[0] : f32 from vector<1xf32>
      %add3A_21 = arith.addf %squeeze3A, %squeeze3A_20 : f32
      %slice3A_22 = vector.extract_strided_slice %exp3A {offsets = [1], sizes = [1], strides = [1]} : vector<16xf32> to vector<1xf32>
      %squeeze3A_23 = vector.extract %slice3A_22[0] : f32 from vector<1xf32>
      %add3A_24 = arith.addf %squeeze3A_18, %squeeze3A_23 : f32
      %slice3A_25 = vector.extract_strided_slice %mul3A_16 {offsets = [2], sizes = [1], strides = [1]} : vector<16xf32> to vector<1xf32>
      %squeeze3A_26 = vector.extract %slice3A_25[0] : f32 from vector<1xf32>
      %add3A_27 = arith.addf %add3A_21, %squeeze3A_26 : f32
      %slice3A_28 = vector.extract_strided_slice %exp3A {offsets = [2], sizes = [1], strides = [1]} : vector<16xf32> to vector<1xf32>
      %squeeze3A_29 = vector.extract %slice3A_28[0] : f32 from vector<1xf32>
      %add3A_30 = arith.addf %add3A_24, %squeeze3A_29 : f32
      %slice3A_31 = vector.extract_strided_slice %mul3A_16 {offsets = [3], sizes = [1], strides = [1]} : vector<16xf32> to vector<1xf32>
      %squeeze3A_32 = vector.extract %slice3A_31[0] : f32 from vector<1xf32>
      %add3A_33 = arith.addf %add3A_27, %squeeze3A_32 : f32
      %slice3A_34 = vector.extract_strided_slice %exp3A {offsets = [3], sizes = [1], strides = [1]} : vector<16xf32> to vector<1xf32>
      %squeeze3A_35 = vector.extract %slice3A_34[0] : f32 from vector<1xf32>
      %add3A_36 = arith.addf %add3A_30, %squeeze3A_35 : f32
      %slice3A_37 = vector.extract_strided_slice %mul3A_16 {offsets = [4], sizes = [1], strides = [1]} : vector<16xf32> to vector<1xf32>
      %squeeze3A_38 = vector.extract %slice3A_37[0] : f32 from vector<1xf32>
      %add3A_39 = arith.addf %add3A_33, %squeeze3A_38 : f32
      %slice3A_40 = vector.extract_strided_slice %exp3A {offsets = [4], sizes = [1], strides = [1]} : vector<16xf32> to vector<1xf32>
      %squeeze3A_41 = vector.extract %slice3A_40[0] : f32 from vector<1xf32>
      %add3A_42 = arith.addf %add3A_36, %squeeze3A_41 : f32
      %slice3A_43 = vector.extract_strided_slice %mul3A_16 {offsets = [5], sizes = [1], strides = [1]} : vector<16xf32> to vector<1xf32>
      %squeeze3A_44 = vector.extract %slice3A_43[0] : f32 from vector<1xf32>
      %add3A_45 = arith.addf %add3A_39, %squeeze3A_44 : f32
      %slice3A_46 = vector.extract_strided_slice %exp3A {offsets = [5], sizes = [1], strides = [1]} : vector<16xf32> to vector<1xf32>
      %squeeze3A_47 = vector.extract %slice3A_46[0] : f32 from vector<1xf32>
      %add3A_48 = arith.addf %add3A_42, %squeeze3A_47 : f32
      %slice3A_49 = vector.extract_strided_slice %mul3A_16 {offsets = [6], sizes = [1], strides = [1]} : vector<16xf32> to vector<1xf32>
      %squeeze3A_50 = vector.extract %slice3A_49[0] : f32 from vector<1xf32>
      %add3A_51 = arith.addf %add3A_45, %squeeze3A_50 : f32
      %slice3A_52 = vector.extract_strided_slice %exp3A {offsets = [6], sizes = [1], strides = [1]} : vector<16xf32> to vector<1xf32>
      %squeeze3A_53 = vector.extract %slice3A_52[0] : f32 from vector<1xf32>
      %add3A_54 = arith.addf %add3A_48, %squeeze3A_53 : f32
      %slice3A_55 = vector.extract_strided_slice %mul3A_16 {offsets = [7], sizes = [1], strides = [1]} : vector<16xf32> to vector<1xf32>
      %squeeze3A_56 = vector.extract %slice3A_55[0] : f32 from vector<1xf32>
      %add3A_57 = arith.addf %add3A_51, %squeeze3A_56 : f32
      %slice3A_58 = vector.extract_strided_slice %exp3A {offsets = [7], sizes = [1], strides = [1]} : vector<16xf32> to vector<1xf32>
      %squeeze3A_59 = vector.extract %slice3A_58[0] : f32 from vector<1xf32>
      %add3A_60 = arith.addf %add3A_54, %squeeze3A_59 : f32
      %broadcast_in_dim3A_61 = vector.broadcast %add3A_57 : f32 to vector<16xf32>
      %broadcast_in_dim3A_62 = vector.broadcast %add3A_60 : f32 to vector<16xf32>
      %get3A_63 = arith.constant 0 : index
      %get3A_64 = tpu.vector_load %arg6[%get3A_63] {strides = array<i32>} : memref<16xf32, #tpu.memory_space<vmem>>, vector<16xf32>,
      %get3A_65 = vector.shape_cast %get3A_64 : vector<16xf32> to vector<16xf32>
      %div3A = arith.divf %broadcast_in_dim3A_61, %broadcast_in_dim3A_62 : vector<16xf32>
      %add3A_66 = arith.addf %get3A_65, %div3A : vector<16xf32>
      %swap3A_67 = arith.constant 0 : index
      %swap3A_68 = tpu.vector_load %arg7[%swap3A_67] {strides = array<i32>} : memref<16xf32, #tpu.memory_space<vmem>>, vector<16xf32>,
      %swap3A_69 = vector.shape_cast %swap3A_68 : vector<16xf32> to vector<16xf32>
      %swap3A_70 = vector.shape_cast %add3A_66 : vector<16xf32> to vector<16xf32>
      tpu.vector_store %arg7[%swap3A_67], %swap3A_70 {strides = array<i32>} : memref<16xf32, #tpu.memory_space<vmem>>, vector<16xf32>,
      "tpu.region"() ({
        %run_scoped3A = tpu.sem_alloc : memref<!tpu.dma_semaphore, #tpu.memory_space<semaphore_mem>>
        tpu.enqueue_dma source(%arg7 : memref<16xf32, #tpu.memory_space<vmem>>) target(%arg4 : memref<16xf32, #tpu.memory_space<hbm>>) target_semaphore(%run_scoped3A : memref<!tpu.dma_semaphore, #tpu.memory_space<semaphore_mem>>)
        tpu.wait_dma2 semaphore(%run_scoped3A : memref<!tpu.dma_semaphore, #tpu.memory_space<semaphore_mem>>) src(%arg7 : memref<16xf32, #tpu.memory_space<vmem>>) dst(%arg4 : memref<16xf32, #tpu.memory_space<hbm>>)
        tpu.yield
      }) : () -> ()
    } else {
    }
    return
  }
}

module attributes {stable_mosaic.version = 14 : i64} {
  func.func @_affine_body(%arg0: i32, %arg1: memref<1024x2048xf32, #tpu.memory_space<vmem>>, %arg2: memref<8x2048xf32, #tpu.memory_space<vmem>>, %arg3: memref<8x2048xf32, #tpu.memory_space<vmem>>, %arg4: memref<1024x2048xf32, #tpu.memory_space<vmem>>) attributes {dimension_semantics = [#tpu.dimension_semantics<arbitrary>], iteration_bounds = array<i64: 32>, scalar_prefetch = 0 : i64, scratch_operands = 0 : i64, tpu.core_type = #tpu.core_type<tc>, window_params = [{transform_indices = @transform_0, window_bounds = array<i64: 1024, 2048>}, {pipeline_mode = #tpu.pipeline_mode<synchronous>, transform_indices = @transform_1, window_bounds = array<i64: 8, 2048>}, {pipeline_mode = #tpu.pipeline_mode<synchronous>, transform_indices = @transform_2, window_bounds = array<i64: 8, 2048>}, {transform_indices = @transform_3, window_bounds = array<i64: 1024, 2048>}]} {
    %get3A = arith.constant 0 : index
    %get3A_0 = arith.constant 0 : index
    %get3A_1 = vector.load %arg1[%get3A, %get3A_0] : memref<1024x2048xf32, #tpu.memory_space<vmem>>, vector<1024x2048xf32>
    %get3A_2 = arith.constant 0 : index
    %get3A_3 = arith.constant 0 : index
    %get3A_4 = vector.load %arg2[%get3A_2, %get3A_3] : memref<8x2048xf32, #tpu.memory_space<vmem>>, vector<1x2048xf32>
    %mul3A = vector.broadcast %get3A_4 : vector<1x2048xf32> to vector<1024x2048xf32>
    %mul3A_5 = arith.mulf %get3A_1, %mul3A : vector<1024x2048xf32>
    %get3A_6 = arith.constant 0 : index
    %get3A_7 = arith.constant 0 : index
    %get3A_8 = vector.load %arg3[%get3A_6, %get3A_7] : memref<8x2048xf32, #tpu.memory_space<vmem>>, vector<1x2048xf32>
    %add3A = vector.broadcast %get3A_8 : vector<1x2048xf32> to vector<1024x2048xf32>
    %add3A_9 = arith.addf %mul3A_5, %add3A : vector<1024x2048xf32>
    %swap3A = arith.constant 0 : index
    %swap3A_10 = arith.constant 0 : index
    %swap3A_11 = vector.load %arg4[%swap3A, %swap3A_10] : memref<1024x2048xf32, #tpu.memory_space<vmem>>, vector<1024x2048xf32>
    tpu.vector_store %arg4[%swap3A, %swap3A_10], %add3A_9 {strides = array<i32>} : memref<1024x2048xf32, #tpu.memory_space<vmem>>, vector<1024x2048xf32>,
    return
  }
  func.func @transform_0(%arg0: i32) -> (i32, i32) {
    %c0_i32 = arith.constant 0 : i32
    %c0_i32_0 = arith.constant 0 : i32
    return %arg0, %c0_i32 : i32, i32
  }
  func.func @transform_1(%arg0: i32) -> (i32, i32) {
    %c0_i32 = arith.constant 0 : i32
    %c0_i32_0 = arith.constant 0 : i32
    %c0_i32_1 = arith.constant 0 : i32
    return %c0_i32, %c0_i32_0 : i32, i32
  }
  func.func @transform_2(%arg0: i32) -> (i32, i32) {
    %c0_i32 = arith.constant 0 : i32
    %c0_i32_0 = arith.constant 0 : i32
    %c0_i32_1 = arith.constant 0 : i32
    return %c0_i32, %c0_i32_0 : i32, i32
  }
  func.func @transform_3(%arg0: i32) -> (i32, i32) {
    %c0_i32 = arith.constant 0 : i32
    %c0_i32_0 = arith.constant 0 : i32
    return %arg0, %c0_i32 : i32, i32
  }
}

</mosaic_0001>

<sc_bundles>
// kernel: kernel.4.cloned.1.call-start
scs
__scs_entry_jumppad:
0x0: {  	(pc) =	sbr.rel $0x88, $3  }
0x1: {  	(tag) =	ssettag $0x0;
	lr =	simm.s32 $0x1  }
0x2: {  	[smem:$0x3F9C] =	sst lr;
	_ =	strace $0xD0000000  }
0x3: {  	_ = 	snop  }
0x4: {  	_ = 	snop  }
0x5: {  	_ = 	snop  }
0x6: {  	_ = 	snop  }
0x7: {  	_ = 	snop  }
__scs_overlays_trampoline_lowered:
0x8: {  	[smem:$0x3FAB] =	sst s0  }
0x9: {  	[smem:$0x3FAC] =	sst s1  }
0xa: {  	[smem:$0x3FAD] =	sst s2  }
0xb: {  	[smem:$0x3FAE] =	sst s3  }
0xc: {  	[smem:$0x3FAF] =	sst s4  }
0xd: {  	[smem:$0x3FB0] =	sst s5  }
0xe: {  	[smem:$0x3FB1] =	sst s6  }
0xf: {  	[smem:$0x3FB2] =	sst s7  }
0x10: {  	[smem:$0x3FB3] =	sst s8  }
0x11: {  	[smem:$0x3FB4] =	sst s9;
	s0 =	simm.s32 @!p0 $0x0  }
0x12: {  	s1 =	sld [smem:$0x3F9A];
	s0 =	simm.s32 @p0 $0x1  }
0x13: {  	[smem:$0x3FB5] =	sst s0;
	s0 =	simm.s32 @!p1 $0x0  }
0x14: {  	s2 =	sld [smem:$0x3F99];
	s0 =	simm.s32 @p1 $0x1  }
0x15: {  	[smem:$0x3FB6] =	sst s0;
	s0 =	simm.s32 @!p2 $0x0  }
0x16: {  	s3 =	sld [smem:$0x3FDB];
	s0 =	simm.s32 @p2 $0x1  }
0x17: {  	s4 =	simm.s32 $0x1BF5;
	[smem:$0x3FB8] =	sst s0  }
0x18: {  	s0 =	sld [smem:$0x3F9B];
	_ =	swait.ge [sflag:s4], $0x0  }
0x19: {  	s7 =	sld [smem:$0x3F9C]  }
0x1a: {  	s8 =	sadd.s32 $0xFFFFE003, lr  }
0x1b: {  	s9 =	sadd.s32 $0xFFFFFEF7, lr;
	s5 =	simm.s32 $0xFFFFFFFF;
	p2 =	slt.u32 s8, $0xFFFFF086  }
0x1c: {  	p1 =	slt.u32 s9, $0xF7A;
	s5 =	simm.s32 @!p2 $0x0  }
0x1d: {  	s5 =	simm.s32 @p1 $0x1;
	p0 =	seq.s32 s7, s2  }
0x1e: {  	s7 =	smul.u32 @!p0 $0xF7A, s2;
	p2 =	seq.s32 @!p0 s5, $0x0  }
0x1f: {  	s9 =	smul.u32 $0xF7A, s1;
	s8 =	simm.s32 @!p0 $0x1BF5;
	p2 =	por !p2, p0  }
0x20: {  	[sflag:s8] =	ssyncset.s32 @!p0 $0xFFFFF086;
	s6 =	sadd.s32 @!p0 s3, s7;
	s7 =	simm.s32 @!p0 $0x108  }
0x21: {  	s3 =	sadd.s32 s3, s9;
	s6 =	sadd.s32 @!p0 $0x88, s6;
	s7 =	simm.s32 @p2 $0x1082  }
0x22: {  	[simem:s7], [sflag:s8] =	dma.local @!p0 [hbm:s6], $0xF7A  }
0x23: {  	s9 =	sor.u32 $0xD0000000, s2;
	s6 =	simm.s32 $0x108;
	_ =	swait.ge @!p0 [sflag:s8], $0x0  }
0x24: {  	s3 =	sadd.s32 $0x88, s3;
	s6 =	simm.s32 @!p1 $0x1082;
	[sflag:s4] =	ssyncset.s32 $0xFFFFF086  }
0x25: {  	[simem:s6], [sflag:s4] =	dma.local [hbm:s3], $0xF7A  }
0x26: {  	[smem:$0x3F9C] =	sst s1;
	(tag) =	ssettag s2;
	_ =	strace s9  }
0x27: {  	s1 =	sld [smem:$0x3FAC]  }
0x28: {  	s2 =	sld [smem:$0x3FAD]  }
0x29: {  	s4 =	sld [smem:$0x3FAF]  }
0x2a: {  	p0 =	seq.s32 s5, $0x0;
	s5 =	sld [smem:$0x3FB0]  }
0x2b: {  	s6 =	sld [smem:$0x3FB1]  }
0x2c: {  	s7 =	sld [smem:$0x3FB2]  }
0x2d: {  	s3 =	simm.s32 $0x108;
	s8 =	sld [smem:$0x3FB3]  }
0x2e: {  	s3 =	simm.s32 @!p0 $0x1082;
	s9 =	sld [smem:$0x3FB4]  }
0x2f: {  	lr =	sadd.s32 s0, s3;
	s0 =	sld [smem:$0x3FAB]  }
0x30: {  	s3 =	sld [smem:$0x3FAE]  }
0x31: {  	[smem:$0x3FB7] =	sst s10  }
0x32: {  	s10 =	sld [smem:$0x3FB5];
	_ =	sdelay $0x3  }
0x33: {  	p0 =	seq.s32 s10, $0x1;
	s10 =	sld [smem:$0x3FB7];
	_ =	sdelay $0x3  }
0x34: {  	[smem:$0x3FB7] =	sst s10  }
0x35: {  	s10 =	sld [smem:$0x3FB6];
	_ =	sdelay $0x3  }
0x36: {  	p1 =	seq.s32 s10, $0x1;
	s10 =	sld [smem:$0x3FB7];
	_ =	sdelay $0x3  }
0x37: {  	[smem:$0x3FB7] =	sst s10  }
0x38: {  	s10 =	sld [smem:$0x3FB8]  }
0x39: {  	_ = 	snop;
	(pc) =	sbr.ind lr, $3  }
0x3a: {  	_ = 	snop  }
0x3b: {  	_ = 	snop  }
0x3c: {  	p2 =	seq.s32 s10, $0x1;
	s10 =	sld [smem:$0x3FB7]  }
0x3d: {  	_ =	shalt  }
0x3e: {  	_ =	shalt  }
0x3f: {  	_ =	shalt  }
0x40: {  	_ =	shalt  }
0x41: {  	_ =	shalt  }
0x42: {  	_ =	shalt  }
0x43: {  	_ =	shalt  }
0x44: {  	_ =	shalt  }
0x45: {  	_ =	shalt  }
0x46: {  	_ =	shalt  }
0x47: {  	_ =	shalt  }
0x48: {  	_ =	shalt  }
0x49: {  	_ =	shalt  }
0x4a: {  	_ =	shalt  }
0x4b: {  	_ =	shalt  }
0x4c: {  	_ =	shalt  }
0x4d: {  	_ =	shalt  }
0x4e: {  	_ =	shalt  }
0x4f: {  	_ =	shalt  }
0x50: {  	_ =	shalt  }
0x51: {  	_ =	shalt  }
0x52: {  	_ =	shalt  }
0x53: {  	_ =	shalt  }
0x54: {  	_ =	shalt  }
0x55: {  	_ =	shalt  }
0x56: {  	_ =	shalt  }
0x57: {  	_ =	shalt  }
0x58: {  	_ =	shalt  }
0x59: {  	_ =	shalt  }
0x5a: {  	_ =	shalt  }
0x5b: {  	_ =	shalt  }
0x5c: {  	_ =	shalt  }
0x5d: {  	_ =	shalt  }
0x5e: {  	_ =	shalt  }
0x5f: {  	_ =	shalt  }
0x60: {  	_ =	shalt  }
0x61: {  	_ =	shalt  }
0x62: {  	_ =	shalt  }
0x63: {  	_ =	shalt  }
0x64: {  	_ =	shalt  }
0x65: {  	_ =	shalt  }
0x66: {  	_ =	shalt  }
0x67: {  	_ =	shalt  }
0x68: {  	_ =	shalt  }
0x69: {  	_ =	shalt  }
0x6a: {  	_ =	shalt  }
0x6b: {  	_ =	shalt  }
0x6c: {  	_ =	shalt  }
0x6d: {  	_ =	shalt  }
0x6e: {  	_ =	shalt  }
0x6f: {  	_ =	shalt  }
0x70: {  	_ =	shalt  }
0x71: {  	_ =	shalt  }
0x72: {  	_ =	shalt  }
0x73: {  	_ =	shalt  }
0x74: {  	_ =	shalt  }
0x75: {  	_ =	shalt  }
0x76: {  	_ =	shalt  }
0x77: {  	_ =	shalt  }
0x78: {  	_ =	shalt  }
0x79: {  	_ =	shalt  }
0x7a: {  	_ =	shalt  }
0x7b: {  	_ =	shalt  }
0x7c: {  	_ =	shalt  }
0x7d: {  	_ =	shalt  }
0x7e: {  	_ =	shalt  }
0x7f: {  	_ =	shalt  }
0x80: {  	_ =	shalt  }
0x81: {  	_ =	shalt  }
0x82: {  	_ =	shalt  }
0x83: {  	_ =	shalt  }
0x84: {  	_ =	shalt  }
0x85: {  	_ =	shalt  }
0x86: {  	_ =	shalt  }
0x87: {  	_ =	shalt  }
.Lfunc_end0:
.L_simem_size_0:
called_computation_lowered:
.L_overlay_start_0:
0x88: {  	s2 =	sld [smem:$0x3FD9]  }
0x89: {  	s3 =	sld [smem:$0x3FFE];
	_ =	sdelay $0x1  }
0x8a: {  	s1 =	srdreg.scid  }
0x8b: {  	s0 =	sand.u32 $0x1, s1  }
0x8c: {  	s14 =	sshll.u32 s0, $0xA;
	s2 =	sadd.s32 s3, s2  }
0x8d: {  	s2 =	sadd.s32 s2, s14  }
0x8e: {  	[smem:$0x3FC3] =	sst s2  }
0x8f: {  	_ = 	snop  }
0x90: {  	s2 =	sld [smem:$0x3FD0];
	_ =	sdelay $0x2  }
0x91: {  	s4 =	simm.s32 $0xA;
	s5 =	simm.s32 $0x10;
	s15 =	sld [smem:$0x3FC7]  }
0x92: {  	[smem:s5], [sflag:s4] =	dma.local [hbm:s2], $0x1  }
0x93: {  	_ =	swait.eq [sflag:s4], $0x1  }
0x94: {  	[sflag:s4] =	ssyncset.done $0x0  }
0x95: {  	[sflag:s4] =	ssyncadd.s32 $0xFFFFFFFF  }
0x96: {  	s16 =	sld [smem:$0x11];
	(tm) =	ssettm $0x1  }
0x97: {  	s17 =	sld [smem:$0x3FFB];
	_ =	sdelay $0x3  }
0x98: {  	_ =	strace s17  }
0x99: {  	s4 =	sld [smem:$0x3FFC];
	_ =	sdelay $0x3  }
0x9a: {  	_ =	strace s4  }
0x9b: {  	s4 =	sld [smem:$0x3FFD];
	_ =	sdelay $0x3  }
0x9c: {  	_ =	strace s4  }
0x9d: {  	_ =	strace $0x8FFFFFFF  }
0x9e: {  	s18 =	sld [smem:$0x3FDB];
	_ =	sdelay $0x1  }
0x9f: {  	s19 =	simm.s32 $_scs_section_size  }
0xa0: {  	s6 =	simm.s32 $_size__tile_overlayer_lowered;
	s7 =	simm.s32 $_tile_overlayer_lowered  }
0xa1: {  	s22 =	simm.s32 $0x1BFF;
	s21 =	sshll.u32 s7, $0x1;
	s4 =	sadd.s32 s19, s18  }
0xa2: {  	s8 =	simm.s32 $0x0;
	s20 =	sshll.u32 s6, $0x1;
	s6 =	sadd.s32 s21, s4  }
0xa3: {  	[timem:s8], [sflag:s22] =	dma.local [hbm:s6], s20  }
0xa4: {  	_ =	swait.ge [sflag:s22], s20  }
0xa5: {  	s5 =	ssub.s32 $0x0, s20;
	[sflag:s22] =	ssyncset.done $0x0  }
0xa6: {  	[sflag:s22] =	ssyncadd.s32 s5;
	_ =	sdelay $0x1  }
0xa7: {  	s23 =	simm.s32 $0x1B8B  }
0xa8: {  	_ =	swait.ge [sflag:s23], $0x1  }
0xa9: {  	[sflag:s23] =	ssyncset.done $0x0  }
0xaa: {  	s25 =	simm.s32 $0x1B8E;
	s24 =	sld [smem:$0x3FFE];
	[sflag:s23] =	ssyncadd.s32 $0xFFFFFFFF  }
0xab: {  	s26 =	simm.s32 $execute0_lowered;
	[smem:$0x3FD2] =	sst s25  }
0xac: {  	s6 =	sshll.u32 s26, $0x1;
	_ =	strace $0x80000046;
	[dreg:$0x1] =	wrdreg $0xFFFFFFFF  }
0xad: {  	s28 =	simm.s32 $_size_execute0_lowered;
	s4 =	sadd.s32 s4, s6;
	[dreg:$0x0] =	wrdreg $0x0  }
0xae: {  	s6 =	sshll.u32 s28, $0x1;
	[dreg:$0x2] =	wrdreg s4  }
0xaf: {  	[dreg:$0x3] =	wrdreg s6  }
0xb0: {  	[dreg:$0x4] =	wrdreg $0xC0  }
0xb1: {  	_ =	task [dreg:s8], $0x5FFFF  }
0xb2: {  	[dreg:$0x1] =	wrdreg $0xFFFFFFFF  }
0xb3: {  	[dreg:$0x0] =	wrdreg $0x60  }
0xb4: {  	[dreg:$0x2] =	wrdreg s15  }
0xb5: {  	[dreg:$0x3] =	wrdreg s24  }
0xb6: {  	[dreg:$0x4] =	wrdreg s16  }
0xb7: {  	[dreg:$0x5] =	wrdreg $0x9  }
0xb8: {  	_ =	task.clear_ibuf [dreg:s8], $0x6FFFF;
	_ =	strace $0x90000046  }
0xb9: {  	s29 =	simm.s32 $0x9;
	_ =	strace $0x80000048  }
0xba: {  	_ =	swait.ge [sflag:s29], $0x1  }
0xbb: {  	[sflag:s29] =	ssyncadd.s32 $0xFFFFFFFF  }
0xbc: {  	_ =	strace $0x90000048  }
0xbd: {  	_ =	sfence  }
0xbe: {  	s30 =	sld [smem:$0x0];
	_ =	sdelay $0x2  }
0xbf: {  	s31 =	sshll.u32 s1, $0xD;
	s1 =	sshrl.u32 s1, $0x2  }
0xc0: {  	s3 =	sand.u32 $0x4000, s31;
	s1 =	sadd.s32 s1, s30  }
0xc1: {  	s0 =	sor.u32 s3, s0;
	s1 =	sshll.u32 s1, $0x11  }
0xc2: {  	s0 =	sor.u32 s1, s0  }
0xc3: {  	s0 =	sadd.s32 $0x8F2B, s0  }
0xc4: {  	[sflag:s0] =	ssyncadd.remote.s32 $0x1  }
0xc5: {  	_ =	sfence.sel $0xFFFF  }
0xc6: {  	[dreg:$0x0] =	wrdreg $0xFFFFFFFF;
	(pc) =	sbr.abs _section_cstart, $3  }
0xc7: {  	[dreg:$0x1] =	wrdreg $0xFFFFFFFF  }
0xc8: {  	_ =	task.clear_ibuf [dreg:s8], $0x2FFFF;
	_ =	strace $0x9FFFFFFF  }
0xc9: {  	(tm) =	ssettm $0x7FFFFFFF  }
tec
execute0_lowered:
.L_overlay_start_1:
0x0: {  	(tag) =	ssettag $0x1  }
0x1: {  	s0 =	rddreg [dreg:$0x0];
	s31 =	srdreg.scid  }
0x2: {  	[dreg:$0x4] =	wrdreg s0;
	s4 =	sand.u32 $0x1, s31;
	s0 =	stileid.u32  }
0x3: {  	s5 =	sshll.u32 s0, $0x1;
	s6 =	ssub.s32 $0x0, s4  }
0x4: {  	p0 =	sne.s32 s5, s6  }
.Ltmp0:
0x5: {  	_ = 	snop;
	(pc) =	sbr.rel @p0 .LBB2_5-.Ltmp0, $4  }
0x6: {  	_ = 	snop  }
0x7: {  	s3 =	rddreg [dreg:$0x1]  }
0x8: {  	s2 =	rddreg [dreg:$0x2]  }
0x9: {  	s1 =	rddreg [dreg:$0x3];
	_ =	strace $0x80000047  }
0xa: {  	s4 =	ssub.s32 $0x2, s4  }
0xb: {  	s5 =	sshrl.u32 s4, $0x1  }
0xc: {  	v0 =	vimm.f32 $5.000000000e-01;
	vm0 =	vcmask $0x704;
	s30 =	ssub.s32 s4, s5  }
0xd: {  	vm10 =	vcmask $0xB08;
	v0 =	vsel vm0, $0x3F36DB6E, v0;
	s7 =	smax.u32 s30, $0x1  }
0xe: {  	vm11 =	vcmask $0xF0C;
	v0 =	vsel vm10, $0x3F6DB6DC, v0;
	p1 =	sne.s32 s7, $0x1  }
.Ltmp1:
0xf: {  	vm12 =	vcmask $0x1310;
	v0 =	vsel vm11, $0x3F924924, v0;
	(pc) =	sbr.rel @!p1 .LBB2_4-.Ltmp1, $4  }
0x10: {  	vm13 =	vcmask $0x1714;
	v0 =	vsel vm12, $0x3FADB6DC, v0  }
0x11: {  	s6 =	sadd.s32 $0x800, s3;
	s31 =	simm.s32 $0x80;
	vm14 =	vcmask $0x1B18;
	v0 =	vsel vm13, $0x3FC92492, v0  }
0x12: {  	s3 =	simm.s32 $0x0;
	vm15 =	vcmask $0x1F1C;
	p0 =	por $0x0, $0x0;
	[dreg:$0x5] =	wrdreg s31;
	v0 =	vsel vm14, $0x3FE49249, v0  }
0x13: {  	v1 =	vimm.f32 $-Inf;
	s4 =	simm.s32 $0x1;
	s5 =	simm.s32 $0x100;
	s7 =	sadd.s32 $0xFFFFFFFF, s7;
	v0 =	vsel vm15, $0x40000000, v0  }
0x14: {  	s8 =	rddreg [dreg:$0x4];
	[tilespmem:$0x0] =	vst v1  }
0x15: {  	[tilespmem:s3], [sflag:$0x1] =	stream.linear.gather [hbm4b:s8+s3], $0x8, $0x38;
	[tilespmem:$0x180] =	vst v63  }
0x16: {  	_ =	swait.ge [sflag:s4], $0x8  }
0x17: {  	[sflag:s4] =	ssyncset.done $0x0  }
0x18: {  	s18 =	rddreg [dreg:$0x5];
	[sflag:s4] =	ssyncadd.s32 $0xFFFFFFF8  }
0x19: {  	[tilespmem:s18], [sflag:$0x1] =	stream.linear.gather [hbm4b:s6+s3], $0x80, $0x38;
	[tilespmem:$0x180] =	vst v63  }
0x1a: {  	_ =	swait.ge [sflag:s4], $0x80  }
0x1b: {  	[sflag:s4] =	ssyncset.done $0x0  }
0x1c: {  	[sflag:s4] =	ssyncadd.s32 $0xFFFFFF80  }
0x1d: {  	v2 =	vld [tilespmem:$0x0];
	_ =	sdelay $0x4  }
0x1e: {  	v2 =	vmul.f32 $1.442695020e+00, v2;
	_ =	sdelay $0x1  }
0x1f: {  	(erf) = vpow2.f32 v2;
	_ =	sdelay $0x8  }
0x20: {  	v2 =	vpop (erf)  }
0x21: {  	v3 =	vmul.f32 v0, v2;
	(v2sf) =	vpush v2, $0x0  }
0x22: {  	(v2sf) =	vpush v2, $0x1  }
0x23: {  	(v2sf) =	vpush v3, $0x1  }
0x24: {  	(v2sf) =	vpush v2, $0x2  }
0x25: {  	(v2sf) =	vpush v2, $0x3  }
0x26: {  	(v2sf) =	vpush v3, $0x0  }
0x27: {  	(v2sf) =	vpush v2, $0x4  }
0x28: {  	(v2sf) =	vpush v2, $0x6  }
0x29: {  	(v2sf) =	vpush v3, $0x2  }
0x2a: {  	(v2sf) =	vpush v2, $0x5;
	_ =	sdelay $0x2  }
0x2b: {  	(v2sf) =	vpush v3, $0x3  }
0x2c: {  	(v2sf) =	vpush v2, $0x7;
	_ =	sdelay $0x1  }
0x2d: {  	s19 =	spop (v2sf)  }
0x2e: {  	s9 =	spop (v2sf)  }
0x2f: {  	s8 =	sadd.f32 s9, s19;
	s20 =	spop (v2sf)  }
0x30: {  	(v2sf) =	vpush v3, $0x4;
	s10 =	spop (v2sf)  }
0x31: {  	s8 =	sadd.f32 s8, s10;
	s21 =	spop (v2sf)  }
0x32: {  	(v2sf) =	vpush v3, $0x5;
	s11 =	spop (v2sf)  }
0x33: {  	s8 =	sadd.f32 s8, s21;
	s22 =	spop (v2sf)  }
0x34: {  	(v2sf) =	vpush v3, $0x6;
	s12 =	spop (v2sf)  }
0x35: {  	s8 =	sadd.f32 s8, s22;
	s23 =	spop (v2sf)  }
0x36: {  	(v2sf) =	vpush v3, $0x7;
	s13 =	spop (v2sf)  }
0x37: {  	s8 =	sadd.f32 s8, s13;
	_ =	sdelay $0x1  }
0x38: {  	s24 =	spop (v2sf);
	s8 =	sadd.f32 s8, s12  }
0x39: {  	s9 =	sadd.f32 s20, s11;
	s25 =	spop (v2sf)  }
0x3a: {  	s8 =	sadd.f32 s8, s25  }
0x3b: {  	s9 =	sadd.f32 s9, s23  }
0x3c: {  	v2 =	vmov s8  }
0x3d: {  	s26 =	sadd.f32 s9, s24;
	(erf) = vrcp.f32 v2  }
0x3e: {  	s28 =	spop (v2sf)  }
0x3f: {  	s8 =	sadd.f32 s26, s28  }
0x40: {  	s29 =	spop (v2sf)  }
0x41: {  	s8 =	sadd.f32 s8, s29  }
0x42: {  	p1 =	sne.s32 s7, $0x1;
	s30 =	spop (v2sf)  }
.Ltmp2:
0x43: {  	s8 =	sadd.f32 s8, s30;
	(pc) =	sbr.rel @!p1 .LBB2_4-.Ltmp2, $4  }
0x44: {  	s31 =	spop (v2sf)  }
0x45: {  	s8 =	sadd.f32 s8, s31  }
0x46: {  	v3 =	vpop (erf)  }
0x47: {  	s7 =	sadd.s32 $0xFFFFFFFF, s7;
	p0 =	por $0x1, $0x1;
	v2 =	vld [tilespmem:$0x80];
	v3 =	vmul.f32 s8, v3  }
.LBB2_3:
0x48: {  	_ =	sdelay $0x3  }
0x49: {  	v2 =	vadd.f32 v3, v2;
	_ =	sdelay $0x1  }
0x4a: {  	[tilespmem:$0x100] =	vst v2  }
0x4b: {  	[hbm4b:s2+s3] =	stream.linear.scatter [tilespmem:s5], [sflag:$0x1], $0x80, $0x38;
	[tilespmem:$0x180] =	vst v63  }
0x4c: {  	_ =	swait.ge [sflag:s4], $0x80  }
0x4d: {  	[sflag:s4] =	ssyncset.done $0x0  }
0x4e: {  	[sflag:s4] =	ssyncadd.s32 $0xFFFFFF80  }
0x4f: {  	s8 =	rddreg [dreg:$0x4];
	[tilespmem:$0x0] =	vst v1  }
0x50: {  	[tilespmem:s3], [sflag:$0x1] =	stream.linear.gather [hbm4b:s8+s3], $0x8, $0x38;
	[tilespmem:$0x180] =	vst v63  }
0x51: {  	_ =	swait.ge [sflag:s4], $0x8  }
0x52: {  	[sflag:s4] =	ssyncset.done $0x0  }
0x53: {  	s17 =	rddreg [dreg:$0x5];
	[sflag:s4] =	ssyncadd.s32 $0xFFFFFFF8  }
0x54: {  	[tilespmem:s17], [sflag:$0x1] =	stream.linear.gather [hbm4b:s6+s3], $0x80, $0x38;
	[tilespmem:$0x180] =	vst v63  }
0x55: {  	_ =	swait.ge [sflag:s4], $0x80  }
0x56: {  	[sflag:s4] =	ssyncset.done $0x0  }
0x57: {  	[sflag:s4] =	ssyncadd.s32 $0xFFFFFF80  }
0x58: {  	v2 =	vld [tilespmem:$0x0];
	_ =	sdelay $0x4  }
0x59: {  	v2 =	vmul.f32 $1.442695020e+00, v2;
	_ =	sdelay $0x1  }
0x5a: {  	(erf) = vpow2.f32 v2;
	_ =	sdelay $0x8  }
0x5b: {  	v2 =	vpop (erf)  }
0x5c: {  	v3 =	vmul.f32 v0, v2;
	(v2sf) =	vpush v2, $0x0  }
0x5d: {  	(v2sf) =	vpush v2, $0x1  }
0x5e: {  	(v2sf) =	vpush v3, $0x1  }
0x5f: {  	(v2sf) =	vpush v2, $0x2  }
0x60: {  	(v2sf) =	vpush v2, $0x3  }
0x61: {  	(v2sf) =	vpush v3, $0x0  }
0x62: {  	(v2sf) =	vpush v2, $0x4  }
0x63: {  	(v2sf) =	vpush v2, $0x6  }
0x64: {  	(v2sf) =	vpush v3, $0x2  }
0x65: {  	(v2sf) =	vpush v2, $0x5;
	_ =	sdelay $0x2  }
0x66: {  	(v2sf) =	vpush v3, $0x3  }
0x67: {  	(v2sf) =	vpush v2, $0x7;
	_ =	sdelay $0x1  }
0x68: {  	s18 =	spop (v2sf)  }
0x69: {  	s9 =	spop (v2sf)  }
0x6a: {  	s8 =	sadd.f32 s9, s18;
	s19 =	spop (v2sf)  }
0x6b: {  	(v2sf) =	vpush v3, $0x4;
	s10 =	spop (v2sf)  }
0x6c: {  	s8 =	sadd.f32 s8, s10;
	s20 =	spop (v2sf)  }
0x6d: {  	(v2sf) =	vpush v3, $0x5;
	s11 =	spop (v2sf)  }
0x6e: {  	s8 =	sadd.f32 s8, s20;
	s21 =	spop (v2sf)  }
0x6f: {  	(v2sf) =	vpush v3, $0x6;
	s22 =	spop (v2sf)  }
0x70: {  	s8 =	sadd.f32 s8, s21;
	s23 =	spop (v2sf)  }
0x71: {  	(v2sf) =	vpush v3, $0x7;
	s24 =	spop (v2sf)  }
0x72: {  	s8 =	sadd.f32 s8, s24;
	_ =	sdelay $0x1  }
0x73: {  	s25 =	spop (v2sf);
	s8 =	sadd.f32 s8, s22  }
0x74: {  	s9 =	sadd.f32 s19, s11;
	s26 =	spop (v2sf)  }
0x75: {  	s8 =	sadd.f32 s8, s26  }
0x76: {  	s9 =	sadd.f32 s9, s23  }
0x77: {  	v2 =	vmov s8  }
0x78: {  	s9 =	sadd.f32 s9, s25;
	(erf) = vrcp.f32 v2  }
0x79: {  	s28 =	spop (v2sf)  }
0x7a: {  	s9 =	sadd.f32 s9, s28  }
0x7b: {  	s29 =	spop (v2sf)  }
0x7c: {  	s9 =	sadd.f32 s9, s29  }
0x7d: {  	p1 =	sne.s32 s7, $0x1;
	s30 =	spop (v2sf)  }
.Ltmp3:
0x7e: {  	s8 =	sadd.f32 s9, s30;
	(pc) =	sbr.rel @p1 .LBB2_3-.Ltmp3, $4  }
0x7f: {  	s31 =	spop (v2sf)  }
0x80: {  	s8 =	sadd.f32 s8, s31  }
0x81: {  	v3 =	vpop (erf)  }
0x82: {  	s7 =	sadd.s32 $0xFFFFFFFF, s7;
	v2 =	vld [tilespmem:$0x80];
	v3 =	vmul.f32 s8, v3  }
.LBB2_4:
0x83: {  	_ =	sdelay $0x3  }
0x84: {  	v2 =	vadd.f32 @p0 v3, v2;
	_ =	sdelay $0x1  }
0x85: {  	[tilespmem:$0x100] =	vst @p0 v2  }
0x86: {  	[hbm4b:s2+s3] =	stream.linear.scatter @p0 [tilespmem:s5], [sflag:$0x1], $0x80, $0x38;
	[tilespmem:$0x180] =	vst v63  }
0x87: {  	_ =	swait.ge @p0 [sflag:s4], $0x80  }
0x88: {  	[sflag:s4] =	ssyncset.done @p0 $0x0  }
0x89: {  	[sflag:s4] =	ssyncadd.s32 @p0 $0xFFFFFF80  }
0x8a: {  	s7 =	rddreg [dreg:$0x4];
	[tilespmem:$0x0] =	vst v1  }
0x8b: {  	[tilespmem:s3], [sflag:$0x1] =	stream.linear.gather [hbm4b:s7+s3], $0x8, $0x38;
	[tilespmem:$0x180] =	vst v63  }
0x8c: {  	_ =	swait.ge [sflag:s4], $0x8  }
0x8d: {  	[sflag:s4] =	ssyncset.done $0x0  }
0x8e: {  	s17 =	rddreg [dreg:$0x5];
	[sflag:s4] =	ssyncadd.s32 $0xFFFFFFF8  }
0x8f: {  	[tilespmem:s17], [sflag:$0x1] =	stream.linear.gather [hbm4b:s6+s3], $0x80, $0x38;
	[tilespmem:$0x180] =	vst v63  }
0x90: {  	_ =	swait.ge [sflag:s4], $0x80  }
0x91: {  	[sflag:s4] =	ssyncset.done $0x0  }
0x92: {  	[sflag:s4] =	ssyncadd.s32 $0xFFFFFF80  }
0x93: {  	v60 =	vld [tilespmem:$0x0];
	_ =	sdelay $0x4  }
0x94: {  	v1 =	vmul.f32 $1.442695020e+00, v60;
	_ =	sdelay $0x1  }
0x95: {  	(erf) = vpow2.f32 v1;
	_ =	sdelay $0x8  }
0x96: {  	v1 =	vpop (erf)  }
0x97: {  	v0 =	vmul.f32 v0, v1;
	(v2sf) =	vpush v1, $0x0  }
0x98: {  	(v2sf) =	vpush v1, $0x1  }
0x99: {  	(v2sf) =	vpush v0, $0x1  }
0x9a: {  	(v2sf) =	vpush v1, $0x2  }
0x9b: {  	(v2sf) =	vpush v1, $0x3  }
0x9c: {  	(v2sf) =	vpush v0, $0x0  }
0x9d: {  	(v2sf) =	vpush v1, $0x4  }
0x9e: {  	(v2sf) =	vpush v1, $0x6  }
0x9f: {  	(v2sf) =	vpush v0, $0x2  }
0xa0: {  	(v2sf) =	vpush v1, $0x5;
	_ =	sdelay $0x2  }
0xa1: {  	(v2sf) =	vpush v0, $0x3  }
0xa2: {  	(v2sf) =	vpush v1, $0x7;
	_ =	sdelay $0x1  }
0xa3: {  	s18 =	spop (v2sf)  }
0xa4: {  	s19 =	spop (v2sf)  }
0xa5: {  	s6 =	sadd.f32 s19, s18;
	s20 =	spop (v2sf)  }
0xa6: {  	(v2sf) =	vpush v0, $0x4;
	s8 =	spop (v2sf)  }
0xa7: {  	s6 =	sadd.f32 s6, s8;
	s21 =	spop (v2sf)  }
0xa8: {  	(v2sf) =	vpush v0, $0x5;
	s9 =	spop (v2sf)  }
0xa9: {  	s6 =	sadd.f32 s6, s21;
	s22 =	spop (v2sf)  }
0xaa: {  	(v2sf) =	vpush v0, $0x6;
	s10 =	spop (v2sf)  }
0xab: {  	s6 =	sadd.f32 s6, s22;
	s23 =	spop (v2sf)  }
0xac: {  	(v2sf) =	vpush v0, $0x7;
	s11 =	spop (v2sf)  }
0xad: {  	s6 =	sadd.f32 s6, s11;
	_ =	sdelay $0x1  }
0xae: {  	s24 =	spop (v2sf);
	s6 =	sadd.f32 s6, s10  }
0xaf: {  	s7 =	sadd.f32 s20, s9;
	s25 =	spop (v2sf)  }
0xb0: {  	s6 =	sadd.f32 s6, s25  }
0xb1: {  	s7 =	sadd.f32 s7, s23  }
0xb2: {  	v61 =	vmov s6  }
0xb3: {  	s26 =	sadd.f32 s7, s24;
	(erf) = vrcp.f32 v61  }
0xb4: {  	s28 =	spop (v2sf)  }
0xb5: {  	s6 =	sadd.f32 s26, s28  }
0xb6: {  	s29 =	spop (v2sf)  }
0xb7: {  	s6 =	sadd.f32 s6, s29  }
0xb8: {  	s30 =	spop (v2sf)  }
0xb9: {  	s6 =	sadd.f32 s6, s30  }
0xba: {  	v62 =	vld [tilespmem:$0x80];
	s31 =	spop (v2sf)  }
0xbb: {  	s6 =	sadd.f32 s6, s31  }
0xbc: {  	v63 =	vpop (erf)  }
0xbd: {  	v1 =	vmul.f32 s6, v63;
	_ =	sdelay $0x1  }
0xbe: {  	v0 =	vadd.f32 v1, v62;
	_ =	sdelay $0x1  }
0xbf: {  	[tilespmem:$0x100] =	vst v0  }
0xc0: {  	[hbm4b:s2+s3] =	stream.linear.scatter [tilespmem:s5], [sflag:$0x1], $0x80, $0x38;
	[tilespmem:$0x180] =	vst v63  }
0xc1: {  	_ =	swait.ge [sflag:s4], $0x80  }
0xc2: {  	[sflag:s4] =	ssyncset.done $0x0  }
0xc3: {  	[sflag:s4] =	ssyncadd.s32 $0xFFFFFF80  }
.LBB2_5:
0xc4: {  	_ =	sfence.sel $0x180000  }
0xc5: {  	[bflag:$0x0] =	sbarrier.arrive $0xFFFF  }
0xc6: {  	p0 =	sne.s32 s0, $0x0;
	_ =	strace $0x90000047  }
0xc7: {  	s0 =	sadd.s32 @!p0 $0x100000, s1;
	[bflag:$0x2] =	sbarrier.arrive $0xFFFF  }
0xc8: {  	[sflag:s0] =	ssyncadd.tile.s32 @!p0 $0x1;
	_ =	shalt  }
.Lfunc_end2:
_tile_overlayer_lowered:
.L_overlay_start_2:
0xc9: {  	(tag) =	ssettag $0x2  }
0xca: {  	s0 =	rddreg [dreg:$0x0];
	s2 =	stileid.u32  }
0xcb: {  	s1 =	rddreg [dreg:$0x1];
	p0 =	sne.s32 s2, $0x0  }
0xcc: {  	s3 =	rddreg [dreg:$0x2];
	[bflag:$0x3] =	sbarrier.arrive $0xFFFF;
	s2 =	simm.s32 @!p0 $0x1C01  }
0xcd: {  	[timem:s3], [sflag:s2] =	dma.local @!p0 [hbm:s0], s1  }
0xce: {  	s0 =	simm.s32 @!p0 $0x1  }
0xcf: {  	_ =	swait.ge @!p0 [sflag:s0], s1  }
0xd0: {  	s1 =	ssub.s32 @!p0 $0x0, s1;
	[sflag:s0] =	ssyncset.done @!p0 $0x0  }
0xd1: {  	[sflag:s0] =	ssyncadd.s32 @!p0 s1  }
0xd2: {  	[bflag:$0x3] =	sbarrier.arrive $0xFFFF  }
0xd3: {  	_ =	shalt  }

</sc_bundles>
